<compile_context>
chip_gen: v7x
topology: tpu7x:2x2x1
jax: 0.10.2.dev20260603
libtpu: 0.0.44.dev20260713+nightly
codegen_flags: <defaults>
</compile_context>

<pallas_src>
import jax
import jax.numpy as jnp
from jax import lax
from jax.experimental import pallas as pl
from jax.experimental.pallas import tpu as pltpu
from jax.experimental.pallas import tpu_sc as plsc

VOCAB = 101
D_MODEL = 1024
B_TOTAL = 4 * 4096

_INFO = plsc.get_sparse_core_info()
_NC, _NS, _NL = _INFO.num_cores, _INFO.num_subcores, _INFO.num_lanes
_NW = _NC * _NS
_BPW = B_TOTAL // _NW
_WIN = 64


def _body(table_hbm, ids_hbm, out_hbm, table_v, idx_v, wsem):
    wid = lax.axis_index("s") * _NC + lax.axis_index("c")
    base = wid * _BPW
    pltpu.sync_copy(table_hbm, table_v)
    pltpu.sync_copy(ids_hbm.at[pl.ds(base, _BPW)], idx_v)

    def row_copy(pos, rid):
        return pltpu.make_async_copy(
            table_v.at[pl.ds(rid, 1)], out_hbm.at[pl.ds(pos, 1)], wsem)

    def fire(i, carry):
        ridv = plsc.load_gather(idx_v, [jnp.broadcast_to(i, (_NL,))])
        rid = lax.reduce_max(ridv, (0,))
        row_copy(base + i, rid).start()

        @pl.when(i >= _WIN)
        def _():
            row_copy(base, 0).wait()

        return carry

    lax.fori_loop(0, _BPW, fire, 0)

    def drain(i, carry):
        row_copy(base, 0).wait()
        return carry

    lax.fori_loop(0, _WIN, drain, 0)


@jax.jit
def _run(ids_flat, embeddings):
    mesh = plsc.VectorSubcoreMesh(core_axis_name="c", subcore_axis_name="s")
    k = pl.kernel(
        _body,
        out_type=jax.ShapeDtypeStruct((B_TOTAL, D_MODEL), jnp.float32),
        mesh=mesh,
        scratch_types=[
            pltpu.VMEM((VOCAB, D_MODEL), jnp.float32),
            pltpu.VMEM((_BPW,), jnp.int32),
            pltpu.SemaphoreType.DMA,
        ],
        compiler_params=pltpu.CompilerParams(needs_layout_passes=False),
    )
    return k(embeddings, ids_flat)


def kernel(lang_ids, embeddings):
    ids_flat = lang_ids.reshape(-1)
    if ids_flat.dtype != jnp.int32:
        ids_flat = ids_flat.astype(jnp.int32)
    out = _run(ids_flat, embeddings)
    return out.reshape(lang_ids.shape + (D_MODEL,))

# --- scband reference (transcript-rebuilt; emitter-appended) ---
"""Pipeline reference for scband-language-embeddings-28329604285056 (READ-ONLY COPY).

The authoritative reference and input builder live on the scoring server;
editing this copy changes nothing except your own understanding.
"""

import jax, jax.numpy as jnp
import numpy as np

VOCAB = 101  # len(lang2id) + 1
D_MODEL = 1024


def setup_inputs(seed: int = 0) -> dict:
    key = jax.random.key(seed)
    k1, k2 = jax.random.split(key)
    lang_ids = jax.random.randint(k1, (4, 4096), 0, VOCAB, dtype=jnp.int64 if jax.config.read('jax_enable_x64') else jnp.int32)
    # hk.Embed default: truncated normal scaled by 1/sqrt(vocab); use normal*0.02-style init
    embeddings = jax.random.normal(k2, (VOCAB, D_MODEL), dtype=jnp.float32) * (1.0 / np.sqrt(VOCAB))
    return {"lang_ids": lang_ids, "embeddings": embeddings}


def reference(lang_ids, embeddings):
    # hk.Embed lookup: gather rows of the embedding table
    return jnp.take(embeddings, lang_ids, axis=0)

if __name__ == "__main__":
    import jax
    _d = setup_inputs()
    print(jax.jit(kernel)(*tuple(_d.values())))

</pallas_src>

<mosaic_0001>
#map = affine_map<(d0, d1) -> (0, 0)>
#map1 = affine_map<(d0, d1) -> (0)>
module attributes {stable_mosaic.version = 14 : i64} {
  func.func @_body(%arg0: i32, %arg1: i32, %arg2: memref<101x1024xf32, #tpu.memory_space<hbm>>, %arg3: memref<16384xi32, #tpu.memory_space<hbm>>, %arg4: memref<16384x1024xf32, #tpu.memory_space<hbm>>, %arg5: memref<101x1024xf32, #tpu.memory_space<vmem>>, %arg6: memref<512xi32, #tpu.memory_space<vmem>>, %arg7: memref<!tpu.dma_semaphore, #tpu.memory_space<semaphore_mem>>) attributes {dimension_semantics = [#tpu.dimension_semantics<core_parallel>, #tpu.dimension_semantics<subcore_parallel>], iteration_bounds = array<i64: 2, 16>, scalar_prefetch = 0 : i64, scratch_operands = 3 : i64, tpu.core_type = #tpu.core_type<sc_vector_subcore>, window_params = [{transform_indices = #map}, {transform_indices = #map1}, {transform_indices = #map}]} {
    %mul3A = arith.constant 2 : i32
    %mul3A_0 = arith.muli %arg1, %mul3A : i32
    %add3A = arith.addi %mul3A_0, %arg0 : i32
    %mul3A_1 = arith.constant 512 : i32
    %mul3A_2 = arith.muli %add3A, %mul3A_1 : i32
    "tpu.region"() ({
      %run_scoped3A = tpu.sem_alloc : memref<!tpu.dma_semaphore, #tpu.memory_space<semaphore_mem>>
      tpu.enqueue_dma source(%arg2 : memref<101x1024xf32, #tpu.memory_space<hbm>>) target(%arg5 : memref<101x1024xf32, #tpu.memory_space<vmem>>) target_semaphore(%run_scoped3A : memref<!tpu.dma_semaphore, #tpu.memory_space<semaphore_mem>>)
      tpu.wait_dma2 semaphore(%run_scoped3A : memref<!tpu.dma_semaphore, #tpu.memory_space<semaphore_mem>>) src(%arg2 : memref<101x1024xf32, #tpu.memory_space<hbm>>) dst(%arg5 : memref<101x1024xf32, #tpu.memory_space<vmem>>)
      tpu.yield
    }) : () -> ()
    "tpu.region"() ({
      %run_scoped3A = tpu.sem_alloc : memref<!tpu.dma_semaphore, #tpu.memory_space<semaphore_mem>>
      %dma_start3A = tpu.memref_slice %arg3[%mul3A_2] : memref<16384xi32, #tpu.memory_space<hbm>> -> memref<512xi32, #tpu.memory_space<hbm>>
      %dma_start3A_14 = tpu.memref_slice %arg3[%mul3A_2] : memref<16384xi32, #tpu.memory_space<hbm>> -> memref<512xi32, #tpu.memory_space<hbm>>
      tpu.enqueue_dma source(%dma_start3A_14 : memref<512xi32, #tpu.memory_space<hbm>>) target(%arg6 : memref<512xi32, #tpu.memory_space<vmem>>) target_semaphore(%run_scoped3A : memref<!tpu.dma_semaphore, #tpu.memory_space<semaphore_mem>>)
      %dma_wait3A = tpu.memref_slice %arg3[%mul3A_2] : memref<16384xi32, #tpu.memory_space<hbm>> -> memref<512xi32, #tpu.memory_space<hbm>>
      %dma_wait3A_15 = tpu.memref_slice %arg3[%mul3A_2] : memref<16384xi32, #tpu.memory_space<hbm>> -> memref<512xi32, #tpu.memory_space<hbm>>
      tpu.wait_dma2 semaphore(%run_scoped3A : memref<!tpu.dma_semaphore, #tpu.memory_space<semaphore_mem>>) src(%dma_wait3A_15 : memref<512xi32, #tpu.memory_space<hbm>>) dst(%arg6 : memref<512xi32, #tpu.memory_space<vmem>>)
      tpu.yield
    }) : () -> ()
    %scan3A = arith.constant 0 : i32
    %scan3A_3 = arith.constant 0 : i32
    %scan3A_4 = arith.constant 512 : i32
    %scan3A_5 = arith.addi %scan3A_3, %scan3A_4 : i32
    %scan3A_6 = arith.constant 1 : i32
    scf.for %scan3A_14 = %scan3A_3 to %scan3A_5 step %scan3A_6  : i32 {
      %broadcast_in_dim3A = vector.broadcast %scan3A_14 : i32 to vector<16xi32>
      %gather3A = tpu.vector_load_idx %arg6[%broadcast_in_dim3A] : memref<512xi32, #tpu.memory_space<vmem>>[vector<16xi32>], vector<16xi32>,
      %reduce_max3A = arith.constant true
      %reduce_max3A_15 = vector.broadcast %reduce_max3A : i1 to vector<16xi1>
      %reduce_max3A_16 = arith.constant -2147483648 : i32
      %reduce_max3A_17 = vector.broadcast %reduce_max3A_16 : i32 to vector<16xi32>
      %reduce_max3A_18 = arith.xori %gather3A, %reduce_max3A_17 : vector<16xi32>
      %reduce_max3A_19 = tpu.scan <max>, %reduce_max3A_18 masked %reduce_max3A_15 : vector<16xi32>, vector<16xi1> -> vector<16xi32>
      %reduce_max3A_20 = arith.xori %reduce_max3A_19, %reduce_max3A_17 : vector<16xi32>
      %reduce_max3A_21 = vector.extract %reduce_max3A_20[15] : i32 from vector<16xi32>
      %add3A_22 = arith.addi %mul3A_2, %scan3A_14 : i32
      %dma_start3A = arith.constant 0 : i32
      %dma_start3A_23 = tpu.memref_slice %arg5[%reduce_max3A_21, %dma_start3A] : memref<101x1024xf32, #tpu.memory_space<vmem>> -> memref<1x1024xf32, #tpu.memory_space<vmem>>
      %dma_start3A_24 = arith.constant 0 : i32
      %dma_start3A_25 = tpu.memref_slice %arg4[%add3A_22, %dma_start3A_24] : memref<16384x1024xf32, #tpu.memory_space<hbm>> -> memref<1x1024xf32, #tpu.memory_space<hbm>>
      %dma_start3A_26 = arith.constant 0 : i32
      %dma_start3A_27 = tpu.memref_slice %arg4[%add3A_22, %dma_start3A_26] : memref<16384x1024xf32, #tpu.memory_space<hbm>> -> memref<1x1024xf32, #tpu.memory_space<hbm>>
      %dma_start3A_28 = arith.constant 0 : i32
      %dma_start3A_29 = tpu.memref_slice %arg5[%reduce_max3A_21, %dma_start3A_28] : memref<101x1024xf32, #tpu.memory_space<vmem>> -> memref<1x1024xf32, #tpu.memory_space<vmem>>
      tpu.enqueue_dma source(%dma_start3A_29 : memref<1x1024xf32, #tpu.memory_space<vmem>>) target(%dma_start3A_27 : memref<1x1024xf32, #tpu.memory_space<hbm>>) target_semaphore(%arg7 : memref<!tpu.dma_semaphore, #tpu.memory_space<semaphore_mem>>)
      %ge3A = arith.constant 64 : i32
      %ge3A_30 = arith.cmpi sge, %scan3A_14, %ge3A : i32
      %convert_element_type3A = arith.extui %ge3A_30 : i1 to i32
      %cond3A = arith.constant 0 : i32
      %cond3A_31 = arith.cmpi ne, %convert_element_type3A, %cond3A : i32
      scf.if %cond3A_31 {
        %dma_wait3A = arith.constant 0 : i32
        %dma_wait3A_32 = arith.constant 0 : i32
        %dma_wait3A_33 = tpu.memref_slice %arg5[%dma_wait3A, %dma_wait3A_32] : memref<101x1024xf32, #tpu.memory_space<vmem>> -> memref<1x1024xf32, #tpu.memory_space<vmem>>
        %dma_wait3A_34 = arith.constant 0 : i32
        %dma_wait3A_35 = tpu.memref_slice %arg4[%mul3A_2, %dma_wait3A_34] : memref<16384x1024xf32, #tpu.memory_space<hbm>> -> memref<1x1024xf32, #tpu.memory_space<hbm>>
        %dma_wait3A_36 = arith.constant 0 : i32
        %dma_wait3A_37 = tpu.memref_slice %arg4[%mul3A_2, %dma_wait3A_36] : memref<16384x1024xf32, #tpu.memory_space<hbm>> -> memref<1x1024xf32, #tpu.memory_space<hbm>>
        %dma_wait3A_38 = arith.constant 0 : i32
        %dma_wait3A_39 = arith.constant 0 : i32
        %dma_wait3A_40 = tpu.memref_slice %arg5[%dma_wait3A_38, %dma_wait3A_39] : memref<101x1024xf32, #tpu.memory_space<vmem>> -> memref<1x1024xf32, #tpu.memory_space<vmem>>
        tpu.wait_dma2 semaphore(%arg7 : memref<!tpu.dma_semaphore, #tpu.memory_space<semaphore_mem>>) src(%dma_wait3A_40 : memref<1x1024xf32, #tpu.memory_space<vmem>>) dst(%dma_wait3A_37 : memref<1x1024xf32, #tpu.memory_space<hbm>>)
      } else {
      }
    }
    %scan3A_7 = arith.constant 512 : i32
    %scan3A_8 = arith.constant 0 : i32
    %scan3A_9 = arith.constant 0 : i32
    %scan3A_10 = arith.constant 64 : i32
    %scan3A_11 = arith.addi %scan3A_9, %scan3A_10 : i32
    %scan3A_12 = arith.constant 1 : i32
    scf.for %scan3A_14 = %scan3A_9 to %scan3A_11 step %scan3A_12  : i32 {
      %dma_wait3A = arith.constant 0 : i32
      %dma_wait3A_15 = arith.constant 0 : i32
      %dma_wait3A_16 = tpu.memref_slice %arg5[%dma_wait3A, %dma_wait3A_15] : memref<101x1024xf32, #tpu.memory_space<vmem>> -> memref<1x1024xf32, #tpu.memory_space<vmem>>
      %dma_wait3A_17 = arith.constant 0 : i32
      %dma_wait3A_18 = tpu.memref_slice %arg4[%mul3A_2, %dma_wait3A_17] : memref<16384x1024xf32, #tpu.memory_space<hbm>> -> memref<1x1024xf32, #tpu.memory_space<hbm>>
      %dma_wait3A_19 = arith.constant 0 : i32
      %dma_wait3A_20 = tpu.memref_slice %arg4[%mul3A_2, %dma_wait3A_19] : memref<16384x1024xf32, #tpu.memory_space<hbm>> -> memref<1x1024xf32, #tpu.memory_space<hbm>>
      %dma_wait3A_21 = arith.constant 0 : i32
      %dma_wait3A_22 = arith.constant 0 : i32
      %dma_wait3A_23 = tpu.memref_slice %arg5[%dma_wait3A_21, %dma_wait3A_22] : memref<101x1024xf32, #tpu.memory_space<vmem>> -> memref<1x1024xf32, #tpu.memory_space<vmem>>
      tpu.wait_dma2 semaphore(%arg7 : memref<!tpu.dma_semaphore, #tpu.memory_space<semaphore_mem>>) src(%dma_wait3A_23 : memref<1x1024xf32, #tpu.memory_space<vmem>>) dst(%dma_wait3A_20 : memref<1x1024xf32, #tpu.memory_space<hbm>>)
    }
    %scan3A_13 = arith.constant 64 : i32
    return
  }
}

</mosaic_0001>

<sc_bundles>
// kernel: _run.3.cloned.1.call-start
scs
__scs_entry_jumppad:
0x0: {  	(pc) =	sbr.rel $0x88, $3  }
0x1: {  	(tag) =	ssettag $0x0;
	lr =	simm.s32 $0x1  }
0x2: {  	[smem:$0x3F9F] =	sst lr;
	_ =	strace $0xD0000000  }
0x3: {  	_ = 	snop  }
0x4: {  	_ = 	snop  }
0x5: {  	_ = 	snop  }
0x6: {  	_ = 	snop  }
0x7: {  	_ = 	snop  }
__scs_overlays_trampoline_lowered:
0x8: {  	[smem:$0x3FAE] =	sst s0  }
0x9: {  	[smem:$0x3FAF] =	sst s1  }
0xa: {  	[smem:$0x3FB0] =	sst s2  }
0xb: {  	[smem:$0x3FB1] =	sst s3  }
0xc: {  	[smem:$0x3FB2] =	sst s4  }
0xd: {  	[smem:$0x3FB3] =	sst s5  }
0xe: {  	[smem:$0x3FB4] =	sst s6  }
0xf: {  	[smem:$0x3FB5] =	sst s7  }
0x10: {  	[smem:$0x3FB6] =	sst s8  }
0x11: {  	[smem:$0x3FB7] =	sst s9;
	s0 =	simm.s32 @!p0 $0x0  }
0x12: {  	s1 =	sld [smem:$0x3F9D];
	s0 =	simm.s32 @p0 $0x1  }
0x13: {  	[smem:$0x3FB8] =	sst s0;
	s0 =	simm.s32 @!p1 $0x0  }
0x14: {  	s2 =	sld [smem:$0x3F9C];
	s0 =	simm.s32 @p1 $0x1  }
0x15: {  	[smem:$0x3FB9] =	sst s0;
	s0 =	simm.s32 @!p2 $0x0  }
0x16: {  	s3 =	sld [smem:$0x3FDB];
	s0 =	simm.s32 @p2 $0x1  }
0x17: {  	s4 =	simm.s32 $0x1BF5;
	[smem:$0x3FBB] =	sst s0  }
0x18: {  	s0 =	sld [smem:$0x3F9E];
	_ =	swait.ge [sflag:s4], $0x0  }
0x19: {  	s7 =	sld [smem:$0x3F9F]  }
0x1a: {  	s8 =	sadd.s32 $0xFFFFE003, lr  }
0x1b: {  	s9 =	sadd.s32 $0xFFFFFEF7, lr;
	s5 =	simm.s32 $0xFFFFFFFF;
	p2 =	slt.u32 s8, $0xFFFFF086  }
0x1c: {  	p1 =	slt.u32 s9, $0xF7A;
	s5 =	simm.s32 @!p2 $0x0  }
0x1d: {  	s5 =	simm.s32 @p1 $0x1;
	p0 =	seq.s32 s7, s2  }
0x1e: {  	s7 =	smul.u32 @!p0 $0xF7A, s2;
	p2 =	seq.s32 @!p0 s5, $0x0  }
0x1f: {  	s9 =	smul.u32 $0xF7A, s1;
	s8 =	simm.s32 @!p0 $0x1BF5;
	p2 =	por !p2, p0  }
0x20: {  	[sflag:s8] =	ssyncset.s32 @!p0 $0xFFFFF086;
	s6 =	sadd.s32 @!p0 s3, s7;
	s7 =	simm.s32 @!p0 $0x108  }
0x21: {  	s3 =	sadd.s32 s3, s9;
	s6 =	sadd.s32 @!p0 $0x88, s6;
	s7 =	simm.s32 @p2 $0x1082  }
0x22: {  	[simem:s7], [sflag:s8] =	dma.local @!p0 [hbm:s6], $0xF7A  }
0x23: {  	s9 =	sor.u32 $0xD0000000, s2;
	s6 =	simm.s32 $0x108;
	_ =	swait.ge @!p0 [sflag:s8], $0x0  }
0x24: {  	s3 =	sadd.s32 $0x88, s3;
	s6 =	simm.s32 @!p1 $0x1082;
	[sflag:s4] =	ssyncset.s32 $0xFFFFF086  }
0x25: {  	[simem:s6], [sflag:s4] =	dma.local [hbm:s3], $0xF7A  }
0x26: {  	[smem:$0x3F9F] =	sst s1;
	(tag) =	ssettag s2;
	_ =	strace s9  }
0x27: {  	s1 =	sld [smem:$0x3FAF]  }
0x28: {  	s2 =	sld [smem:$0x3FB0]  }
0x29: {  	s4 =	sld [smem:$0x3FB2]  }
0x2a: {  	p0 =	seq.s32 s5, $0x0;
	s5 =	sld [smem:$0x3FB3]  }
0x2b: {  	s6 =	sld [smem:$0x3FB4]  }
0x2c: {  	s7 =	sld [smem:$0x3FB5]  }
0x2d: {  	s3 =	simm.s32 $0x108;
	s8 =	sld [smem:$0x3FB6]  }
0x2e: {  	s3 =	simm.s32 @!p0 $0x1082;
	s9 =	sld [smem:$0x3FB7]  }
0x2f: {  	lr =	sadd.s32 s0, s3;
	s0 =	sld [smem:$0x3FAE]  }
0x30: {  	s3 =	sld [smem:$0x3FB1]  }
0x31: {  	[smem:$0x3FBA] =	sst s10  }
0x32: {  	s10 =	sld [smem:$0x3FB8];
	_ =	sdelay $0x3  }
0x33: {  	p0 =	seq.s32 s10, $0x1;
	s10 =	sld [smem:$0x3FBA];
	_ =	sdelay $0x3  }
0x34: {  	[smem:$0x3FBA] =	sst s10  }
0x35: {  	s10 =	sld [smem:$0x3FB9];
	_ =	sdelay $0x3  }
0x36: {  	p1 =	seq.s32 s10, $0x1;
	s10 =	sld [smem:$0x3FBA];
	_ =	sdelay $0x3  }
0x37: {  	[smem:$0x3FBA] =	sst s10  }
0x38: {  	s10 =	sld [smem:$0x3FBB]  }
0x39: {  	_ = 	snop;
	(pc) =	sbr.ind lr, $3  }
0x3a: {  	_ = 	snop  }
0x3b: {  	_ = 	snop  }
0x3c: {  	p2 =	seq.s32 s10, $0x1;
	s10 =	sld [smem:$0x3FBA]  }
0x3d: {  	_ =	shalt  }
0x3e: {  	_ =	shalt  }
0x3f: {  	_ =	shalt  }
0x40: {  	_ =	shalt  }
0x41: {  	_ =	shalt  }
0x42: {  	_ =	shalt  }
0x43: {  	_ =	shalt  }
0x44: {  	_ =	shalt  }
0x45: {  	_ =	shalt  }
0x46: {  	_ =	shalt  }
0x47: {  	_ =	shalt  }
0x48: {  	_ =	shalt  }
0x49: {  	_ =	shalt  }
0x4a: {  	_ =	shalt  }
0x4b: {  	_ =	shalt  }
0x4c: {  	_ =	shalt  }
0x4d: {  	_ =	shalt  }
0x4e: {  	_ =	shalt  }
0x4f: {  	_ =	shalt  }
0x50: {  	_ =	shalt  }
0x51: {  	_ =	shalt  }
0x52: {  	_ =	shalt  }
0x53: {  	_ =	shalt  }
0x54: {  	_ =	shalt  }
0x55: {  	_ =	shalt  }
0x56: {  	_ =	shalt  }
0x57: {  	_ =	shalt  }
0x58: {  	_ =	shalt  }
0x59: {  	_ =	shalt  }
0x5a: {  	_ =	shalt  }
0x5b: {  	_ =	shalt  }
0x5c: {  	_ =	shalt  }
0x5d: {  	_ =	shalt  }
0x5e: {  	_ =	shalt  }
0x5f: {  	_ =	shalt  }
0x60: {  	_ =	shalt  }
0x61: {  	_ =	shalt  }
0x62: {  	_ =	shalt  }
0x63: {  	_ =	shalt  }
0x64: {  	_ =	shalt  }
0x65: {  	_ =	shalt  }
0x66: {  	_ =	shalt  }
0x67: {  	_ =	shalt  }
0x68: {  	_ =	shalt  }
0x69: {  	_ =	shalt  }
0x6a: {  	_ =	shalt  }
0x6b: {  	_ =	shalt  }
0x6c: {  	_ =	shalt  }
0x6d: {  	_ =	shalt  }
0x6e: {  	_ =	shalt  }
0x6f: {  	_ =	shalt  }
0x70: {  	_ =	shalt  }
0x71: {  	_ =	shalt  }
0x72: {  	_ =	shalt  }
0x73: {  	_ =	shalt  }
0x74: {  	_ =	shalt  }
0x75: {  	_ =	shalt  }
0x76: {  	_ =	shalt  }
0x77: {  	_ =	shalt  }
0x78: {  	_ =	shalt  }
0x79: {  	_ =	shalt  }
0x7a: {  	_ =	shalt  }
0x7b: {  	_ =	shalt  }
0x7c: {  	_ =	shalt  }
0x7d: {  	_ =	shalt  }
0x7e: {  	_ =	shalt  }
0x7f: {  	_ =	shalt  }
0x80: {  	_ =	shalt  }
0x81: {  	_ =	shalt  }
0x82: {  	_ =	shalt  }
0x83: {  	_ =	shalt  }
0x84: {  	_ =	shalt  }
0x85: {  	_ =	shalt  }
0x86: {  	_ =	shalt  }
0x87: {  	_ =	shalt  }
.Lfunc_end0:
.L_simem_size_0:
called_computation_lowered:
.L_overlay_start_0:
0x88: {  	s2 =	sld [smem:$0x3FD9]  }
0x89: {  	s3 =	sld [smem:$0x3FFE];
	_ =	sdelay $0x1  }
0x8a: {  	s1 =	srdreg.scid  }
0x8b: {  	s0 =	sand.u32 $0x1, s1  }
0x8c: {  	s18 =	sshll.u32 s0, $0xA;
	s2 =	sadd.s32 s3, s2  }
0x8d: {  	s2 =	sadd.s32 s2, s18  }
0x8e: {  	[smem:$0x3FC6] =	sst s2  }
0x8f: {  	_ = 	snop  }
0x90: {  	s2 =	sld [smem:$0x3FC9]  }
0x91: {  	s19 =	sld [smem:$0x3FC8]  }
0x92: {  	s4 =	sld [smem:$0x3FD0];
	(tm) =	ssettm $0x1  }
0x93: {  	s5 =	sld [smem:$0x3FFB];
	_ =	sdelay $0x3  }
0x94: {  	_ =	strace s5  }
0x95: {  	s5 =	sld [smem:$0x3FFC];
	_ =	sdelay $0x3  }
0x96: {  	_ =	strace s5  }
0x97: {  	s5 =	sld [smem:$0x3FFD];
	_ =	sdelay $0x3  }
0x98: {  	_ =	strace s5  }
0x99: {  	_ =	strace $0x8FFFFFFF  }
0x9a: {  	s20 =	sld [smem:$0x3FDB];
	_ =	sdelay $0x1  }
0x9b: {  	s6 =	simm.s32 $_scs_section_size  }
0x9c: {  	s7 =	simm.s32 $_size__tile_overlayer_lowered;
	s8 =	simm.s32 $_tile_overlayer_lowered  }
0x9d: {  	s23 =	simm.s32 $0x1BFF;
	s22 =	sshll.u32 s8, $0x1;
	s5 =	sadd.s32 s6, s20  }
0x9e: {  	s9 =	simm.s32 $0x0;
	s21 =	sshll.u32 s7, $0x1;
	s7 =	sadd.s32 s22, s5  }
0x9f: {  	[timem:s9], [sflag:s23] =	dma.local [hbm:s7], s21  }
0xa0: {  	_ =	swait.ge [sflag:s23], s21  }
0xa1: {  	s6 =	ssub.s32 $0x0, s21;
	[sflag:s23] =	ssyncset.done $0x0  }
0xa2: {  	[sflag:s23] =	ssyncadd.s32 s6;
	_ =	sdelay $0x1  }
0xa3: {  	s24 =	simm.s32 $0x1B8B  }
0xa4: {  	_ =	swait.ge [sflag:s24], $0x1  }
0xa5: {  	[sflag:s24] =	ssyncset.done $0x0  }
0xa6: {  	s25 =	simm.s32 $0x1B8E;
	[sflag:s24] =	ssyncadd.s32 $0xFFFFFFFF  }
0xa7: {  	s26 =	simm.s32 $execute0_lowered;
	[smem:$0x3FD2] =	sst s25  }
0xa8: {  	s6 =	sshll.u32 s26, $0x1;
	_ =	strace $0x80000046;
	[dreg:$0x1] =	wrdreg $0xFFFFFFFF  }
0xa9: {  	s28 =	simm.s32 $_size_execute0_lowered;
	s5 =	sadd.s32 s5, s6;
	[dreg:$0x0] =	wrdreg $0x0  }
0xaa: {  	s6 =	sshll.u32 s28, $0x1;
	[dreg:$0x2] =	wrdreg s5  }
0xab: {  	[dreg:$0x3] =	wrdreg s6  }
0xac: {  	[dreg:$0x4] =	wrdreg $0xC0  }
0xad: {  	_ =	task [dreg:s9], $0x5FFFF  }
0xae: {  	[dreg:$0x1] =	wrdreg $0xFFFFFFFF  }
0xaf: {  	[dreg:$0x0] =	wrdreg $0x60  }
0xb0: {  	[dreg:$0x2] =	wrdreg s19  }
0xb1: {  	[dreg:$0x3] =	wrdreg s2  }
0xb2: {  	[dreg:$0x4] =	wrdreg s4  }
0xb3: {  	[dreg:$0x5] =	wrdreg $0x9  }
0xb4: {  	_ =	task.clear_ibuf [dreg:s9], $0x6FFFF;
	_ =	strace $0x90000046  }
0xb5: {  	s29 =	simm.s32 $0x9;
	_ =	strace $0x80000048  }
0xb6: {  	_ =	swait.ge [sflag:s29], $0x1  }
0xb7: {  	[sflag:s29] =	ssyncadd.s32 $0xFFFFFFFF  }
0xb8: {  	_ =	strace $0x90000048  }
0xb9: {  	_ =	sfence  }
0xba: {  	s30 =	sld [smem:$0x0];
	_ =	sdelay $0x2  }
0xbb: {  	s31 =	sshll.u32 s1, $0xD;
	s1 =	sshrl.u32 s1, $0x2  }
0xbc: {  	s3 =	sand.u32 $0x4000, s31;
	s1 =	sadd.s32 s1, s30  }
0xbd: {  	s0 =	sor.u32 s3, s0;
	s1 =	sshll.u32 s1, $0x11  }
0xbe: {  	s0 =	sor.u32 s1, s0  }
0xbf: {  	s0 =	sadd.s32 $0x8F2B, s0  }
0xc0: {  	[sflag:s0] =	ssyncadd.remote.s32 $0x1  }
0xc1: {  	_ =	sfence.sel $0xFFFF  }
0xc2: {  	[dreg:$0x0] =	wrdreg $0xFFFFFFFF;
	(pc) =	sbr.abs _section_cstart, $3  }
0xc3: {  	[dreg:$0x1] =	wrdreg $0xFFFFFFFF  }
0xc4: {  	_ =	task.clear_ibuf [dreg:s9], $0x2FFFF;
	_ =	strace $0x9FFFFFFF  }
0xc5: {  	(tm) =	ssettm $0x7FFFFFFF  }
tec
execute0_lowered:
.L_overlay_start_1:
0x0: {  	(tag) =	ssettag $0x1  }
0x1: {  	s1 =	rddreg [dreg:$0x0]  }
0x2: {  	s5 =	rddreg [dreg:$0x1]  }
0x3: {  	s3 =	rddreg [dreg:$0x2]  }
0x4: {  	s0 =	rddreg [dreg:$0x3];
	s6 =	srdreg.scid  }
0x5: {  	s4 =	simm.s32 $0x0;
	s2 =	stileid.u32;
	s11 =	simm.s32 $0x0  }
0x6: {  	s6 =	sand.u32 $0x1, s6;
	s8 =	sshll.u32 s2, $0xA;
	[smem:$0x7FF] =	sst s4  }
0x7: {  	s30 =	sshll.u32 s2, $0x11;
	s7 =	ssub.s32 $0x2, s6;
	s9 =	sshll.u32 s6, $0x9  }
0x8: {  	_ =	strace $0x80000047;
	s31 =	sshll.u32 s6, $0x10;
	s8 =	sor.u32 s9, s8  }
0x9: {  	s10 =	sshrl.u32 s7, $0x1;
	s9 =	simm.s32 $0x1A000;
	s8 =	sshrl.u32 s8, $0x3  }
0xa: {  	s7 =	ssub.s32 s7, s10;
	s10 =	simm.s32 $0x1;
	s5 =	sadd.s32 s5, s8  }
0xb: {  	s6 =	smax.u32 s7, $0x1;
	s7 =	sor.u32 s31, s30;
	s8 =	simm.s32 $0x2  }
.LBB2_1:
0xc: {  	[tilespmem:s4], [sflag:$0x2] =	stream.linear.gather [hbm4b:s1+s4], $0x1A000, $0x38;
	[tilespmem:$0x1A200] =	vst v63  }
0xd: {  	_ =	swait.ge [sflag:s8], $0x1A000  }
0xe: {  	[sflag:s8] =	ssyncset.done $0x0  }
0xf: {  	v0 =	vmov s4;
	[sflag:s8] =	ssyncadd.s32 $0xFFFE6000  }
0x10: {  	[tilespmem:s9], [sflag:$0x2] =	stream.linear.gather [hbm4b:s5+s4], $0x200, $0x38;
	[tilespmem:$0x1A200] =	vst v63  }
0x11: {  	_ =	swait.ge [sflag:s8], $0x200  }
0x12: {  	[sflag:s8] =	ssyncset.done $0x0  }
0x13: {  	[sflag:s8] =	ssyncadd.s32 $0xFFFFFE00  }
0x14: {  	v0 =	vld.idx.msk [tilespmem:v0+s9+$0x0], $0xffff;
	_ =	sdelay $0x4  }
0x15: {  	v0 =	vxor.u32 $0x80000000, v0  }
0x16: {  	(xrf0) =	vmax.scan.msk.u32 $0xffff, v0;
	_ =	sdelay $0x5  }
0x17: {  	v0, _, _ =	vpop (xrf0)  }
0x18: {  	(v2sf) =	vpush v0, $0xF;
	_ =	sdelay $0xe  }
0x19: {  	s12 =	sand.u32 $0x1FFC00, s7;
	s13 =	spop (v2sf)  }
0x1a: {  	s15 =	sand.u32 $0x70, s4;
	s14 =	sshll.u32 s13, $0xA;
	s13 =	sshll.u32 s13, $0x7  }
0x1b: {  	s15 =	sadd.s32 s3, s15;
	s14 =	sand.u32 $0xFFFFE000, s14;
	s13 =	sand.u32 $0x380, s13  }
0x1c: {  	s12 =	sadd.s32 s12, s15;
	s13 =	sor.u32 s13, s14  }
0x1d: {  	[hbm4b:s12+s4] =	stream.linear.scatter [tilespmem:s13], [sflag:$0x1], $0x80, $0x38;
	[tilespmem:$0x1A200] =	vst v63  }
0x1e: {  	s15 =	sadd.s32 $0x80, s12;
	s14 =	sor.u32 $0x400, s13  }
0x1f: {  	[hbm4b:s15+s4] =	stream.linear.scatter [tilespmem:s14], [sflag:$0x1], $0x80, $0x38;
	[tilespmem:$0x1A200] =	vst v63  }
0x20: {  	s22 =	sadd.s32 $0x100, s12;
	s21 =	sor.u32 $0x800, s13  }
0x21: {  	[hbm4b:s22+s4] =	stream.linear.scatter [tilespmem:s21], [sflag:$0x1], $0x80, $0x38;
	[tilespmem:$0x1A200] =	vst v63  }
0x22: {  	s24 =	sadd.s32 $0x180, s12;
	s23 =	sor.u32 $0xC00, s13  }
0x23: {  	[hbm4b:s24+s4] =	stream.linear.scatter [tilespmem:s23], [sflag:$0x1], $0x80, $0x38;
	[tilespmem:$0x1A200] =	vst v63  }
0x24: {  	s26 =	sadd.s32 $0x200, s12;
	s25 =	sor.u32 $0x1000, s13  }
0x25: {  	[hbm4b:s26+s4] =	stream.linear.scatter [tilespmem:s25], [sflag:$0x1], $0x80, $0x38;
	[tilespmem:$0x1A200] =	vst v63  }
0x26: {  	s29 =	sadd.s32 $0x280, s12;
	s28 =	sor.u32 $0x1400, s13  }
0x27: {  	[hbm4b:s29+s4] =	stream.linear.scatter [tilespmem:s28], [sflag:$0x1], $0x80, $0x38;
	[tilespmem:$0x1A200] =	vst v63  }
0x28: {  	s31 =	sadd.s32 $0x300, s12;
	s30 =	sor.u32 $0x1800, s13  }
0x29: {  	[hbm4b:s31+s4] =	stream.linear.scatter [tilespmem:s30], [sflag:$0x1], $0x80, $0x38;
	[tilespmem:$0x1A200] =	vst v63  }
0x2a: {  	s13 =	sor.u32 $0x1C00, s13;
	s12 =	sadd.s32 $0x380, s12  }
0x2b: {  	[hbm4b:s12+s4] =	stream.linear.scatter [tilespmem:s13], [sflag:$0x1], $0x80, $0x38;
	[tilespmem:$0x1A200] =	vst v63  }
0x2c: {  	p1 =	por $0x1, $0x1;
	s12 =	simm.s32 $0x1  }
0x2d: {  	s17 =	simm.s32 @!p1 $0x1;
	s15 =	simm.s32 $0x2;
	v0 =	vmov s12  }
0x2e: {  	s14 =	simm.s32 $0x0;
	s13 =	sadd.s32 $0x80, s7;
	_ =	swait.ge @!p1 [sflag:s17], $0x400  }
.LBB2_2:
0x2f: {  	[sflag:s17] =	ssyncset.done @!p1 $0x0  }
0x30: {  	s14 =	sadd.s32 $0x10, s14;
	s16 =	smov.u32 s15;
	s15 =	sadd.s32 $0x1, s15  }
0x31: {  	p0 =	sne.s32 s15, $0x200;
	[sflag:s17] =	ssyncadd.s32 @!p1 $0xFFFFFC00  }
0x32: {  	v0 =	vld.idx.msk [tilespmem:v0+s9+$0x0], $0xffff;
	_ =	sdelay $0x5  }
0x33: {  	v0 =	vxor.u32 $0x80000000, v0  }
0x34: {  	(xrf0) =	vmax.scan.msk.u32 $0xffff, v0;
	_ =	sdelay $0x5  }
0x35: {  	v0, _, _ =	vpop (xrf0)  }
0x36: {  	(v2sf) =	vpush v0, $0xF;
	_ =	sdelay $0xe  }
0x37: {  	s17 =	sand.u32 $0x1FFC00, s13;
	s18 =	spop (v2sf)  }
0x38: {  	s20 =	sand.u32 $0x70, s14;
	s19 =	sshll.u32 s18, $0xA;
	s18 =	sshll.u32 s18, $0x7  }
0x39: {  	s20 =	sadd.s32 s3, s20;
	s19 =	sand.u32 $0xFFFFE000, s19;
	s18 =	sand.u32 $0x380, s18  }
0x3a: {  	s17 =	sadd.s32 s17, s20;
	s18 =	sor.u32 s18, s19  }
0x3b: {  	[hbm4b:s17+s4] =	stream.linear.scatter [tilespmem:s18], [sflag:$0x1], $0x80, $0x38;
	[tilespmem:$0x1A200] =	vst v63  }
0x3c: {  	s20 =	sadd.s32 $0x80, s17;
	s19 =	sor.u32 $0x400, s18  }
0x3d: {  	[hbm4b:s20+s4] =	stream.linear.scatter [tilespmem:s19], [sflag:$0x1], $0x80, $0x38;
	[tilespmem:$0x1A200] =	vst v63  }
0x3e: {  	s19 =	sor.u32 $0x800, s18;
	s20 =	sadd.s32 $0x100, s17  }
0x3f: {  	[hbm4b:s20+s4] =	stream.linear.scatter [tilespmem:s19], [sflag:$0x1], $0x80, $0x38;
	[tilespmem:$0x1A200] =	vst v63  }
0x40: {  	s19 =	sor.u32 $0xC00, s18;
	s20 =	sadd.s32 $0x180, s17  }
0x41: {  	[hbm4b:s20+s4] =	stream.linear.scatter [tilespmem:s19], [sflag:$0x1], $0x80, $0x38;
	[tilespmem:$0x1A200] =	vst v63  }
0x42: {  	s19 =	sor.u32 $0x1000, s18;
	s20 =	sadd.s32 $0x200, s17  }
0x43: {  	[hbm4b:s20+s4] =	stream.linear.scatter [tilespmem:s19], [sflag:$0x1], $0x80, $0x38;
	[tilespmem:$0x1A200] =	vst v63  }
0x44: {  	s19 =	sor.u32 $0x1400, s18;
	s20 =	sadd.s32 $0x280, s17  }
0x45: {  	[hbm4b:s20+s4] =	stream.linear.scatter [tilespmem:s19], [sflag:$0x1], $0x80, $0x38;
	[tilespmem:$0x1A200] =	vst v63  }
0x46: {  	s19 =	sor.u32 $0x1800, s18;
	s20 =	sadd.s32 $0x300, s17  }
0x47: {  	[hbm4b:s20+s4] =	stream.linear.scatter [tilespmem:s19], [sflag:$0x1], $0x80, $0x38;
	[tilespmem:$0x1A200] =	vst v63  }
.Ltmp0:
0x48: {  	_ = 	snop;
	(pc) =	sbr.rel @p0 .LBB2_2-.Ltmp0, $4  }
0x49: {  	p1 =	slt.u32 s12, $0x40;
	s18 =	sor.u32 $0x1C00, s18;
	s17 =	sadd.s32 $0x380, s17  }
0x4a: {  	v0 =	vmov s16;
	[hbm4b:s17+s4] =	stream.linear.scatter [tilespmem:s18], [sflag:$0x1], $0x80, $0x38;
	[tilespmem:$0x1A200] =	vst v63  }
0x4b: {  	s12 =	smov.u32 s16;
	s17 =	simm.s32 @!p1 $0x1  }
0x4c: {  	s13 =	sadd.s32 $0x80, s13;
	_ =	swait.ge @!p1 [sflag:s17], $0x400  }
0x4d: {  	_ =	sdelay $0x1  }
0x4e: {  	[sflag:s17] =	ssyncset.done @!p1 $0x0  }
0x4f: {  	[sflag:s17] =	ssyncadd.s32 @!p1 $0xFFFFFC00  }
0x50: {  	v0 =	vld.idx.msk [tilespmem:v0+s9+$0x0], $0xffff;
	_ =	sdelay $0x4  }
0x51: {  	v0 =	vxor.u32 $0x80000000, v0  }
0x52: {  	(xrf0) =	vmax.scan.msk.u32 $0xffff, v0;
	_ =	sdelay $0x5  }
0x53: {  	v0, _, _ =	vpop (xrf0)  }
0x54: {  	(v2sf) =	vpush v0, $0xF;
	_ =	sdelay $0xe  }
0x55: {  	s14 =	sadd.s32 $0x10, s14;
	s13 =	sand.u32 $0x1FFC00, s13;
	s15 =	spop (v2sf)  }
0x56: {  	s14 =	sand.u32 $0x70, s14;
	s16 =	sshll.u32 s15, $0xA;
	s15 =	sshll.u32 s15, $0x7  }
0x57: {  	s14 =	sadd.s32 s3, s14;
	s16 =	sand.u32 $0xFFFFE000, s16;
	s15 =	sand.u32 $0x380, s15  }
0x58: {  	s13 =	sadd.s32 s13, s14;
	s15 =	sor.u32 s15, s16  }
0x59: {  	[hbm4b:s13+s4] =	stream.linear.scatter [tilespmem:s15], [sflag:$0x1], $0x80, $0x38;
	[tilespmem:$0x1A200] =	vst v63  }
0x5a: {  	s19 =	sadd.s32 $0x80, s13;
	s18 =	sor.u32 $0x400, s15  }
0x5b: {  	[hbm4b:s19+s4] =	stream.linear.scatter [tilespmem:s18], [sflag:$0x1], $0x80, $0x38;
	[tilespmem:$0x1A200] =	vst v63  }
0x5c: {  	s21 =	sadd.s32 $0x100, s13;
	s20 =	sor.u32 $0x800, s15  }
0x5d: {  	[hbm4b:s21+s4] =	stream.linear.scatter [tilespmem:s20], [sflag:$0x1], $0x80, $0x38;
	[tilespmem:$0x1A200] =	vst v63  }
0x5e: {  	s23 =	sadd.s32 $0x180, s13;
	s22 =	sor.u32 $0xC00, s15  }
0x5f: {  	[hbm4b:s23+s4] =	stream.linear.scatter [tilespmem:s22], [sflag:$0x1], $0x80, $0x38;
	[tilespmem:$0x1A200] =	vst v63  }
0x60: {  	s25 =	sadd.s32 $0x200, s13;
	s24 =	sor.u32 $0x1000, s15  }
0x61: {  	[hbm4b:s25+s4] =	stream.linear.scatter [tilespmem:s24], [sflag:$0x1], $0x80, $0x38;
	[tilespmem:$0x1A200] =	vst v63  }
0x62: {  	s28 =	sadd.s32 $0x280, s13;
	s26 =	sor.u32 $0x1400, s15  }
0x63: {  	[hbm4b:s28+s4] =	stream.linear.scatter [tilespmem:s26], [sflag:$0x1], $0x80, $0x38;
	[tilespmem:$0x1A200] =	vst v63  }
0x64: {  	p0 =	slt.u32 s12, $0x40;
	s30 =	sadd.s32 $0x300, s13;
	s29 =	sor.u32 $0x1800, s15  }
0x65: {  	[hbm4b:s30+s4] =	stream.linear.scatter [tilespmem:s29], [sflag:$0x1], $0x80, $0x38;
	[tilespmem:$0x1A200] =	vst v63  }
0x66: {  	s12 =	simm.s32 @!p0 $0x1;
	s31 =	sor.u32 $0x1C00, s15;
	s13 =	sadd.s32 $0x380, s13  }
0x67: {  	[hbm4b:s13+s4] =	stream.linear.scatter [tilespmem:s31], [sflag:$0x1], $0x80, $0x38;
	[tilespmem:$0x1A200] =	vst v63  }
0x68: {  	_ =	swait.ge @!p0 [sflag:s12], $0x400  }
0x69: {  	[sflag:s12] =	ssyncset.done @!p0 $0x0  }
0x6a: {  	[sflag:s12] =	ssyncadd.s32 @!p0 $0xFFFFFC00  }
0x6b: {  	_ =	swait.ge [sflag:s10], $0x400  }
0x6c: {  	s12 =	simm.s32 $0x3F;
	[sflag:s10] =	ssyncset.done $0x0  }
.LBB2_4:
0x6d: {  	p0 =	sne.s32 s12, $0x1;
	s12 =	sadd.s32 $0xFFFFFFFF, s12;
	[sflag:s10] =	ssyncadd.s32 $0xFFFFFC00  }
.Ltmp1:
0x6e: {  	(pc) =	sbr.rel @p0 .LBB2_4-.Ltmp1, $3  }
0x6f: {  	_ =	sdelay $0x1  }
0x70: {  	_ =	swait.ge [sflag:s10], $0x400  }
0x71: {  	[sflag:s10] =	ssyncset.done $0x0  }
0x72: {  	s11 =	sadd.s32 $0x1, s11  }
0x73: {  	p0 =	sne.s32 s11, s6  }
.Ltmp2:
0x74: {  	_ = 	snop;
	(pc) =	sbr.rel @p0 .LBB2_1-.Ltmp2, $2  }
0x75: {  	_ =	sdelay $0x2  }
0x76: {  	[sflag:s10] =	ssyncadd.s32 $0xFFFFFC00  }
0x77: {  	_ =	sfence.sel $0x180000  }
0x78: {  	[bflag:$0x0] =	sbarrier.arrive $0xFFFF  }
0x79: {  	p0 =	sne.s32 s2, $0x0;
	_ =	strace $0x90000047  }
0x7a: {  	s0 =	sadd.s32 @!p0 $0x100000, s0;
	[bflag:$0x2] =	sbarrier.arrive $0xFFFF  }
0x7b: {  	[sflag:s0] =	ssyncadd.tile.s32 @!p0 $0x1;
	_ =	shalt  }
.Lfunc_end2:
_tile_overlayer_lowered:
.L_overlay_start_2:
0x7c: {  	(tag) =	ssettag $0x2  }
0x7d: {  	s0 =	rddreg [dreg:$0x0];
	s2 =	stileid.u32  }
0x7e: {  	s1 =	rddreg [dreg:$0x1];
	p0 =	sne.s32 s2, $0x0  }
0x7f: {  	s3 =	rddreg [dreg:$0x2];
	[bflag:$0x3] =	sbarrier.arrive $0xFFFF;
	s2 =	simm.s32 @!p0 $0x1C02  }
0x80: {  	[timem:s3], [sflag:s2] =	dma.local @!p0 [hbm:s0], s1  }
0x81: {  	s0 =	simm.s32 @!p0 $0x2  }
0x82: {  	_ =	swait.ge @!p0 [sflag:s0], s1  }
0x83: {  	s1 =	ssub.s32 @!p0 $0x0, s1;
	[sflag:s0] =	ssyncset.done @!p0 $0x0  }
0x84: {  	[sflag:s0] =	ssyncadd.s32 @!p0 s1  }
0x85: {  	[bflag:$0x3] =	sbarrier.arrive $0xFFFF  }
0x86: {  	_ =	shalt  }

</sc_bundles>
